<compile_context>
chip_gen: v7x
topology: tpu7x:2x2x1
jax: 0.10.2.dev20260603
libtpu: 0.0.44.dev20260713+nightly
codegen_flags: <defaults>
</compile_context>

<pallas_src>
import functools

import jax
import jax.numpy as jnp
from jax import lax
from jax.experimental import pallas as pl
from jax.experimental.pallas import tpu as pltpu
from jax.experimental.pallas import tpu_sc as plsc

N = 10000
E = 320000
D = 128

NC = 2
NS = 16
NW = NC * NS

CHUNK = 125
NITER = 80
NHALF = NITER // 2
E_PER_W = CHUNK * NITER
E_PAD = E_PER_W * NW
N_PAD = 10112
STRIPE = N_PAD // NS
DST_PAD = N


_sc_mesh = plsc.VectorSubcoreMesh(core_axis_name="c", subcore_axis_name="s")


@functools.partial(
    pl.kernel,
    out_type=jax.ShapeDtypeStruct((NC, N_PAD, D), jnp.float32),
    mesh=_sc_mesh,
    scratch_types=[
        pltpu.VMEM((NHALF, CHUNK), jnp.int32),
        pltpu.VMEM((NHALF, CHUNK), jnp.int32),
        pltpu.VMEM((CHUNK, D), jnp.float32),
        pltpu.VMEM((CHUNK, D), jnp.float32),
        pltpu.VMEM_SHARED((N_PAD, D), jnp.float32),
        pltpu.SemaphoreType.DMA,
        pltpu.SemaphoreType.DMA,
        pltpu.SemaphoreType.DMA,
        pltpu.SemaphoreType.DMA,
    ],
)
def _sc_aggregate(x_hbm, src_hbm, dst_hbm, zeros_hbm, out_hbm,
                  src_v, dst_v, rows0, rows1, agg_sh, gsem0, gsem1,
                  ssem0, ssem1):
    cid = lax.axis_index("c")
    sid = lax.axis_index("s")
    wid = sid * NC + cid

    pltpu.async_copy(zeros_hbm, agg_sh.at[pl.ds(sid * STRIPE, STRIPE)], ssem0)

    def wait_scatter(buf, sem):
        pltpu.make_async_copy(buf, agg_sh.at[dst_v.at[0]], sem).wait()

    for h in range(2):
        pltpu.sync_copy(src_hbm.at[wid, pl.ds(h * NHALF, NHALF)], src_v)
        pltpu.sync_copy(dst_hbm.at[wid, pl.ds(h * NHALF, NHALF)], dst_v)
        pltpu.async_copy(x_hbm.at[src_v.at[0]], rows0, gsem0)
        if h == 0:
            pltpu.make_async_copy(
                zeros_hbm, agg_sh.at[pl.ds(sid * STRIPE, STRIPE)], ssem0
            ).wait()
            plsc.subcore_barrier()

        def body(k, _):
            i0 = 2 * k
            i1 = 2 * k + 1
            i2 = 2 * k + 2
            pltpu.make_async_copy(x_hbm.at[src_v.at[i0]], rows0, gsem0).wait()
            pltpu.async_copy(rows0, agg_sh.at[dst_v.at[i0]], ssem0, add=True)

            @pl.when(k > 0)
            def _():
                wait_scatter(rows1, ssem1)

            pltpu.async_copy(x_hbm.at[src_v.at[i1]], rows1, gsem1)
            pltpu.make_async_copy(x_hbm.at[src_v.at[i1]], rows1, gsem1).wait()
            pltpu.async_copy(rows1, agg_sh.at[dst_v.at[i1]], ssem1, add=True)

            @pl.when(i2 < NHALF)
            def _():
                wait_scatter(rows0, ssem0)
                pltpu.async_copy(x_hbm.at[src_v.at[i2]], rows0, gsem0)

            return ()

        lax.fori_loop(0, NHALF // 2, body, (), unroll=False)
        wait_scatter(rows0, ssem0)
        wait_scatter(rows1, ssem1)

    plsc.subcore_barrier()
    pltpu.sync_copy(
        agg_sh.at[pl.ds(sid * STRIPE, STRIPE)],
        out_hbm.at[cid, pl.ds(sid * STRIPE, STRIPE)],
    )


def _tc_linear_body(agg_ref, w_ref, b_ref, o_ref):
    a = agg_ref[0, :N] + agg_ref[1, :N]
    h = lax.dot_general(a, w_ref[...], (((1,), (1,)), ((), ())),
                        preferred_element_type=jnp.float32)
    o_ref[...] = jnp.maximum(h + b_ref[...], 0.0)


def _tc_linear(agg2, W, b):
    return pl.pallas_call(
        _tc_linear_body,
        grid=(1,),
        in_specs=[
            pl.BlockSpec((NC, N_PAD, D), lambda i: (0, 0, 0)),
            pl.BlockSpec((D, D), lambda i: (0, 0)),
            pl.BlockSpec((1, D), lambda i: (0, 0)),
        ],
        out_specs=pl.BlockSpec((N, D), lambda i: (0, 0)),
        out_shape=jax.ShapeDtypeStruct((N, D), jnp.float32),
    )(agg2, W, b.reshape(1, D))


def kernel(x, edge_index, W, b):
    ei = edge_index.astype(jnp.int32)
    src = ei[0].reshape(NW, NITER, CHUNK)
    dst = ei[1].reshape(NW, NITER, CHUNK)
    zeros = jnp.zeros((STRIPE, D), jnp.float32)
    agg2 = _sc_aggregate(x, src, dst, zeros)
    return _tc_linear(agg2, W, b)

# --- scband reference (transcript-rebuilt; emitter-appended) ---
"""Pipeline reference for scband-gcn-3504693313815 (READ-ONLY COPY).

The authoritative reference and input builder live on the scoring server;
editing this copy changes nothing except your own understanding.
"""

import jax, jax.numpy as jnp
import numpy as np

N_NODES = 10000
N_EDGES = 320000
D_FEAT = 128


def setup_inputs(seed: int = 0) -> dict:
    key = jax.random.key(seed)
    k1, k2, k3 = jax.random.split(key, 3)
    x = jax.random.normal(k1, (N_NODES, D_FEAT), dtype=jnp.float32)
    edge_index = jax.random.randint(k2, (2, N_EDGES), 0, N_NODES, dtype=jnp.int64)
    # Linear layer params (in_feats=128, out_feats=128), torch-style init scale
    bound = 1.0 / np.sqrt(D_FEAT)
    W = jax.random.uniform(k3, (D_FEAT, D_FEAT), dtype=jnp.float32, minval=-bound, maxval=bound)
    b = jnp.zeros((D_FEAT,), dtype=jnp.float32)
    return {"x": x, "edge_index": edge_index, "W": W, "b": b}


def reference(x, edge_index, W, b):
    # GCN layer: message = copy_src('h'), reduce = sum, then apply: relu(Linear(h))
    src = edge_index[0]
    dst = edge_index[1]
    # gather source node features along edges
    m = jnp.take(x, src, axis=0)  # [E, D]
    # scatter-add (sum reduce) into destination nodes
    agg = jax.ops.segment_sum(m, dst, num_segments=N_NODES)  # [N, D]
    # NodeApplyModule: linear + activation
    h = agg @ W.T + b
    h = jax.nn.relu(h)
    return h

if __name__ == "__main__":
    import jax
    _d = setup_inputs()
    print(jax.jit(kernel)(*tuple(_d.values())))

</pallas_src>

<mosaic_0001>
#map = affine_map<(d0, d1) -> (0, 0)>
#map1 = affine_map<(d0, d1) -> (0, 0, 0)>
module attributes {stable_mosaic.version = 14 : i64} {
  func.func @_sc_aggregate(%arg0: i32, %arg1: i32, %arg2: memref<10000x128xf32, #tpu.memory_space<hbm>>, %arg3: memref<32x80x125xi32, #tpu.memory_space<hbm>>, %arg4: memref<32x80x125xi32, #tpu.memory_space<hbm>>, %arg5: memref<632x128xf32, #tpu.memory_space<hbm>>, %arg6: memref<2x10112x128xf32, #tpu.memory_space<hbm>>, %arg7: memref<40x125xi32, #tpu.memory_space<vmem>>, %arg8: memref<40x125xi32, #tpu.memory_space<vmem>>, %arg9: memref<125x128xf32, #tpu.memory_space<vmem>>, %arg10: memref<125x128xf32, #tpu.memory_space<vmem>>, %arg11: memref<10112x128xf32, #tpu.memory_space<vmem_shared>>, %arg12: memref<!tpu.dma_semaphore, #tpu.memory_space<semaphore_mem>>, %arg13: memref<!tpu.dma_semaphore, #tpu.memory_space<semaphore_mem>>, %arg14: memref<!tpu.dma_semaphore, #tpu.memory_space<semaphore_mem>>, %arg15: memref<!tpu.dma_semaphore, #tpu.memory_space<semaphore_mem>>) attributes {dimension_semantics = [#tpu.dimension_semantics<core_parallel>, #tpu.dimension_semantics<subcore_parallel>], iteration_bounds = array<i64: 2, 16>, scalar_prefetch = 0 : i64, scratch_operands = 9 : i64, tpu.core_type = #tpu.core_type<sc_vector_subcore>, window_params = [{transform_indices = #map}, {transform_indices = #map1}, {transform_indices = #map1}, {transform_indices = #map}, {transform_indices = #map1}]} {
    %mul3A = arith.constant 2 : i32
    %mul3A_0 = arith.muli %arg1, %mul3A : i32
    %add3A = arith.addi %mul3A_0, %arg0 : i32
    %mul3A_1 = arith.constant 632 : i32
    %mul3A_2 = arith.muli %arg1, %mul3A_1 : i32
    %dma_start3A = arith.constant 0 : i32
    %dma_start3A_3 = tpu.memref_slice %arg11[%mul3A_2, %dma_start3A] : memref<10112x128xf32, #tpu.memory_space<vmem_shared>> -> memref<632x128xf32, #tpu.memory_space<vmem_shared>>
    tpu.enqueue_dma source(%arg5 : memref<632x128xf32, #tpu.memory_space<hbm>>) target(%dma_start3A_3 : memref<632x128xf32, #tpu.memory_space<vmem_shared>>) target_semaphore(%arg14 : memref<!tpu.dma_semaphore, #tpu.memory_space<semaphore_mem>>)
    "tpu.region"() ({
      %run_scoped3A = tpu.sem_alloc : memref<!tpu.dma_semaphore, #tpu.memory_space<semaphore_mem>>
      %dma_start3A_63 = arith.constant 0 : i32
      %dma_start3A_64 = arith.constant 0 : i32
      %dma_start3A_65 = tpu.memref_slice %arg3[%add3A, %dma_start3A_63, %dma_start3A_64] : memref<32x80x125xi32, #tpu.memory_space<hbm>> -> memref<1x40x125xi32, #tpu.memory_space<hbm>>
      %dma_start3A_66 = tpu.memref_squeeze %dma_start3A_65 : memref<1x40x125xi32, #tpu.memory_space<hbm>> -> memref<40x125xi32, #tpu.memory_space<hbm>>
      %dma_start3A_67 = arith.constant 0 : i32
      %dma_start3A_68 = arith.constant 0 : i32
      %dma_start3A_69 = tpu.memref_slice %arg3[%add3A, %dma_start3A_67, %dma_start3A_68] : memref<32x80x125xi32, #tpu.memory_space<hbm>> -> memref<1x40x125xi32, #tpu.memory_space<hbm>>
      %dma_start3A_70 = tpu.memref_squeeze %dma_start3A_69 : memref<1x40x125xi32, #tpu.memory_space<hbm>> -> memref<40x125xi32, #tpu.memory_space<hbm>>
      tpu.enqueue_dma source(%dma_start3A_70 : memref<40x125xi32, #tpu.memory_space<hbm>>) target(%arg7 : memref<40x125xi32, #tpu.memory_space<vmem>>) target_semaphore(%run_scoped3A : memref<!tpu.dma_semaphore, #tpu.memory_space<semaphore_mem>>)
      %dma_wait3A_71 = arith.constant 0 : i32
      %dma_wait3A_72 = arith.constant 0 : i32
      %dma_wait3A_73 = tpu.memref_slice %arg3[%add3A, %dma_wait3A_71, %dma_wait3A_72] : memref<32x80x125xi32, #tpu.memory_space<hbm>> -> memref<1x40x125xi32, #tpu.memory_space<hbm>>
      %dma_wait3A_74 = tpu.memref_squeeze %dma_wait3A_73 : memref<1x40x125xi32, #tpu.memory_space<hbm>> -> memref<40x125xi32, #tpu.memory_space<hbm>>
      %dma_wait3A_75 = arith.constant 0 : i32
      %dma_wait3A_76 = arith.constant 0 : i32
      %dma_wait3A_77 = tpu.memref_slice %arg3[%add3A, %dma_wait3A_75, %dma_wait3A_76] : memref<32x80x125xi32, #tpu.memory_space<hbm>> -> memref<1x40x125xi32, #tpu.memory_space<hbm>>
      %dma_wait3A_78 = tpu.memref_squeeze %dma_wait3A_77 : memref<1x40x125xi32, #tpu.memory_space<hbm>> -> memref<40x125xi32, #tpu.memory_space<hbm>>
      tpu.wait_dma2 semaphore(%run_scoped3A : memref<!tpu.dma_semaphore, #tpu.memory_space<semaphore_mem>>) src(%dma_wait3A_78 : memref<40x125xi32, #tpu.memory_space<hbm>>) dst(%arg7 : memref<40x125xi32, #tpu.memory_space<vmem>>)
      tpu.yield
    }) : () -> ()
    "tpu.region"() ({
      %run_scoped3A = tpu.sem_alloc : memref<!tpu.dma_semaphore, #tpu.memory_space<semaphore_mem>>
      %dma_start3A_63 = arith.constant 0 : i32
      %dma_start3A_64 = arith.constant 0 : i32
      %dma_start3A_65 = tpu.memref_slice %arg4[%add3A, %dma_start3A_63, %dma_start3A_64] : memref<32x80x125xi32, #tpu.memory_space<hbm>> -> memref<1x40x125xi32, #tpu.memory_space<hbm>>
      %dma_start3A_66 = tpu.memref_squeeze %dma_start3A_65 : memref<1x40x125xi32, #tpu.memory_space<hbm>> -> memref<40x125xi32, #tpu.memory_space<hbm>>
      %dma_start3A_67 = arith.constant 0 : i32
      %dma_start3A_68 = arith.constant 0 : i32
      %dma_start3A_69 = tpu.memref_slice %arg4[%add3A, %dma_start3A_67, %dma_start3A_68] : memref<32x80x125xi32, #tpu.memory_space<hbm>> -> memref<1x40x125xi32, #tpu.memory_space<hbm>>
      %dma_start3A_70 = tpu.memref_squeeze %dma_start3A_69 : memref<1x40x125xi32, #tpu.memory_space<hbm>> -> memref<40x125xi32, #tpu.memory_space<hbm>>
      tpu.enqueue_dma source(%dma_start3A_70 : memref<40x125xi32, #tpu.memory_space<hbm>>) target(%arg8 : memref<40x125xi32, #tpu.memory_space<vmem>>) target_semaphore(%run_scoped3A : memref<!tpu.dma_semaphore, #tpu.memory_space<semaphore_mem>>)
      %dma_wait3A_71 = arith.constant 0 : i32
      %dma_wait3A_72 = arith.constant 0 : i32
      %dma_wait3A_73 = tpu.memref_slice %arg4[%add3A, %dma_wait3A_71, %dma_wait3A_72] : memref<32x80x125xi32, #tpu.memory_space<hbm>> -> memref<1x40x125xi32, #tpu.memory_space<hbm>>
      %dma_wait3A_74 = tpu.memref_squeeze %dma_wait3A_73 : memref<1x40x125xi32, #tpu.memory_space<hbm>> -> memref<40x125xi32, #tpu.memory_space<hbm>>
      %dma_wait3A_75 = arith.constant 0 : i32
      %dma_wait3A_76 = arith.constant 0 : i32
      %dma_wait3A_77 = tpu.memref_slice %arg4[%add3A, %dma_wait3A_75, %dma_wait3A_76] : memref<32x80x125xi32, #tpu.memory_space<hbm>> -> memref<1x40x125xi32, #tpu.memory_space<hbm>>
      %dma_wait3A_78 = tpu.memref_squeeze %dma_wait3A_77 : memref<1x40x125xi32, #tpu.memory_space<hbm>> -> memref<40x125xi32, #tpu.memory_space<hbm>>
      tpu.wait_dma2 semaphore(%run_scoped3A : memref<!tpu.dma_semaphore, #tpu.memory_space<semaphore_mem>>) src(%dma_wait3A_78 : memref<40x125xi32, #tpu.memory_space<hbm>>) dst(%arg8 : memref<40x125xi32, #tpu.memory_space<vmem>>)
      tpu.yield
    }) : () -> ()
    %dma_start3A_4 = arith.constant 0 : i32
    %dma_start3A_5 = arith.constant 0 : i32
    %dma_start3A_6 = tpu.memref_slice %arg7[%dma_start3A_4, %dma_start3A_5] : memref<40x125xi32, #tpu.memory_space<vmem>> -> memref<1x125xi32, #tpu.memory_space<vmem>>
    %dma_start3A_7 = tpu.memref_squeeze %dma_start3A_6 : memref<1x125xi32, #tpu.memory_space<vmem>> -> memref<125xi32, #tpu.memory_space<vmem>>
    %dma_start3A_8 = arith.constant 0 : i32
    %dma_start3A_9 = arith.constant 0 : i32
    %dma_start3A_10 = tpu.memref_slice %arg2[%dma_start3A_8, %dma_start3A_9] : memref<10000x128xf32, #tpu.memory_space<hbm>> -> memref<10000x128xf32, #tpu.memory_space<hbm>>
    tpu.enqueue_indirect_dma source(%dma_start3A_10 : memref<10000x128xf32, #tpu.memory_space<hbm>>) target(%arg9 : memref<125x128xf32, #tpu.memory_space<vmem>>) offsets(%dma_start3A_7 : memref<125xi32, #tpu.memory_space<vmem>>) semaphore(%arg12 : memref<!tpu.dma_semaphore, #tpu.memory_space<semaphore_mem>>)
    %mul3A_11 = arith.constant 632 : i32
    %mul3A_12 = arith.muli %arg1, %mul3A_11 : i32
    %dma_wait3A = arith.constant 0 : i32
    %dma_wait3A_13 = tpu.memref_slice %arg11[%mul3A_12, %dma_wait3A] : memref<10112x128xf32, #tpu.memory_space<vmem_shared>> -> memref<632x128xf32, #tpu.memory_space<vmem_shared>>
    tpu.wait_dma2 semaphore(%arg14 : memref<!tpu.dma_semaphore, #tpu.memory_space<semaphore_mem>>) src(%arg5 : memref<632x128xf32, #tpu.memory_space<hbm>>) dst(%dma_wait3A_13 : memref<632x128xf32, #tpu.memory_space<vmem_shared>>)
    %barrier3A = arith.constant 0 : index
    tpu.barrier barrier_id(%barrier3A)
    %scan3A = arith.constant 0 : i32
    %scan3A_14 = arith.constant 20 : i32
    %scan3A_15 = arith.addi %scan3A, %scan3A_14 : i32
    %scan3A_16 = arith.constant 1 : i32
    scf.for %scan3A_63 = %scan3A to %scan3A_15 step %scan3A_16  : i32 {
      %mul3A_64 = arith.constant 2 : i32
      %mul3A_65 = arith.muli %mul3A_64, %scan3A_63 : i32
      %mul3A_66 = arith.constant 2 : i32
      %mul3A_67 = arith.muli %mul3A_66, %scan3A_63 : i32
      %add3A_68 = arith.constant 1 : i32
      %add3A_69 = arith.addi %mul3A_67, %add3A_68 : i32
      %mul3A_70 = arith.constant 2 : i32
      %mul3A_71 = arith.muli %mul3A_70, %scan3A_63 : i32
      %add3A_72 = arith.constant 2 : i32
      %add3A_73 = arith.addi %mul3A_71, %add3A_72 : i32
      %dma_wait3A_74 = arith.constant 0 : i32
      %dma_wait3A_75 = tpu.memref_slice %arg7[%mul3A_65, %dma_wait3A_74] : memref<40x125xi32, #tpu.memory_space<vmem>> -> memref<1x125xi32, #tpu.memory_space<vmem>>
      %dma_wait3A_76 = tpu.memref_squeeze %dma_wait3A_75 : memref<1x125xi32, #tpu.memory_space<vmem>> -> memref<125xi32, #tpu.memory_space<vmem>>
      %dma_wait3A_77 = arith.constant 0 : i32
      %dma_wait3A_78 = arith.constant 0 : i32
      %dma_wait3A_79 = tpu.memref_slice %arg2[%dma_wait3A_77, %dma_wait3A_78] : memref<10000x128xf32, #tpu.memory_space<hbm>> -> memref<10000x128xf32, #tpu.memory_space<hbm>>
      tpu.wait_indirect_dma semaphore(%arg12 : memref<!tpu.dma_semaphore, #tpu.memory_space<semaphore_mem>>) src(%dma_wait3A_79 : memref<10000x128xf32, #tpu.memory_space<hbm>>) dst(%arg9 : memref<125x128xf32, #tpu.memory_space<vmem>>)
      %dma_start3A_80 = arith.constant 0 : i32
      %dma_start3A_81 = tpu.memref_slice %arg8[%mul3A_65, %dma_start3A_80] : memref<40x125xi32, #tpu.memory_space<vmem>> -> memref<1x125xi32, #tpu.memory_space<vmem>>
      %dma_start3A_82 = tpu.memref_squeeze %dma_start3A_81 : memref<1x125xi32, #tpu.memory_space<vmem>> -> memref<125xi32, #tpu.memory_space<vmem>>
      %dma_start3A_83 = arith.constant 0 : i32
      %dma_start3A_84 = arith.constant 0 : i32
      %dma_start3A_85 = tpu.memref_slice %arg11[%dma_start3A_83, %dma_start3A_84] : memref<10112x128xf32, #tpu.memory_space<vmem_shared>> -> memref<10112x128xf32, #tpu.memory_space<vmem_shared>>
      tpu.enqueue_indirect_dma source(%arg9 : memref<125x128xf32, #tpu.memory_space<vmem>>) target(%dma_start3A_85 : memref<10112x128xf32, #tpu.memory_space<vmem_shared>>) offsets(%dma_start3A_82 : memref<125xi32, #tpu.memory_space<vmem>>) semaphore(%arg14 : memref<!tpu.dma_semaphore, #tpu.memory_space<semaphore_mem>>) {add = true}
      %gt3A = arith.constant 0 : i32
      %gt3A_86 = arith.cmpi sgt, %scan3A_63, %gt3A : i32
      %convert_element_type3A = arith.extui %gt3A_86 : i1 to i32
      %cond3A = arith.constant 0 : i32
      %cond3A_87 = arith.cmpi ne, %convert_element_type3A, %cond3A : i32
      scf.if %cond3A_87 {
        %dma_wait3A_110 = arith.constant 0 : i32
        %dma_wait3A_111 = arith.constant 0 : i32
        %dma_wait3A_112 = tpu.memref_slice %arg8[%dma_wait3A_110, %dma_wait3A_111] : memref<40x125xi32, #tpu.memory_space<vmem>> -> memref<1x125xi32, #tpu.memory_space<vmem>>
        %dma_wait3A_113 = tpu.memref_squeeze %dma_wait3A_112 : memref<1x125xi32, #tpu.memory_space<vmem>> -> memref<125xi32, #tpu.memory_space<vmem>>
        %dma_wait3A_114 = arith.constant 0 : i32
        %dma_wait3A_115 = arith.constant 0 : i32
        %dma_wait3A_116 = tpu.memref_slice %arg11[%dma_wait3A_114, %dma_wait3A_115] : memref<10112x128xf32, #tpu.memory_space<vmem_shared>> -> memref<10112x128xf32, #tpu.memory_space<vmem_shared>>
        tpu.wait_indirect_dma semaphore(%arg15 : memref<!tpu.dma_semaphore, #tpu.memory_space<semaphore_mem>>) src(%arg10 : memref<125x128xf32, #tpu.memory_space<vmem>>) dst(%dma_wait3A_116 : memref<10112x128xf32, #tpu.memory_space<vmem_shared>>)
      } else {
      }
      %dma_start3A_88 = arith.constant 0 : i32
      %dma_start3A_89 = tpu.memref_slice %arg7[%add3A_69, %dma_start3A_88] : memref<40x125xi32, #tpu.memory_space<vmem>> -> memref<1x125xi32, #tpu.memory_space<vmem>>
      %dma_start3A_90 = tpu.memref_squeeze %dma_start3A_89 : memref<1x125xi32, #tpu.memory_space<vmem>> -> memref<125xi32, #tpu.memory_space<vmem>>
      %dma_start3A_91 = arith.constant 0 : i32
      %dma_start3A_92 = arith.constant 0 : i32
      %dma_start3A_93 = tpu.memref_slice %arg2[%dma_start3A_91, %dma_start3A_92] : memref<10000x128xf32, #tpu.memory_space<hbm>> -> memref<10000x128xf32, #tpu.memory_space<hbm>>
      tpu.enqueue_indirect_dma source(%dma_start3A_93 : memref<10000x128xf32, #tpu.memory_space<hbm>>) target(%arg10 : memref<125x128xf32, #tpu.memory_space<vmem>>) offsets(%dma_start3A_90 : memref<125xi32, #tpu.memory_space<vmem>>) semaphore(%arg13 : memref<!tpu.dma_semaphore, #tpu.memory_space<semaphore_mem>>)
      %dma_wait3A_94 = arith.constant 0 : i32
      %dma_wait3A_95 = tpu.memref_slice %arg7[%add3A_69, %dma_wait3A_94] : memref<40x125xi32, #tpu.memory_space<vmem>> -> memref<1x125xi32, #tpu.memory_space<vmem>>
      %dma_wait3A_96 = tpu.memref_squeeze %dma_wait3A_95 : memref<1x125xi32, #tpu.memory_space<vmem>> -> memref<125xi32, #tpu.memory_space<vmem>>
      %dma_wait3A_97 = arith.constant 0 : i32
      %dma_wait3A_98 = arith.constant 0 : i32
      %dma_wait3A_99 = tpu.memref_slice %arg2[%dma_wait3A_97, %dma_wait3A_98] : memref<10000x128xf32, #tpu.memory_space<hbm>> -> memref<10000x128xf32, #tpu.memory_space<hbm>>
      tpu.wait_indirect_dma semaphore(%arg13 : memref<!tpu.dma_semaphore, #tpu.memory_space<semaphore_mem>>) src(%dma_wait3A_99 : memref<10000x128xf32, #tpu.memory_space<hbm>>) dst(%arg10 : memref<125x128xf32, #tpu.memory_space<vmem>>)
      %dma_start3A_100 = arith.constant 0 : i32
      %dma_start3A_101 = tpu.memref_slice %arg8[%add3A_69, %dma_start3A_100] : memref<40x125xi32, #tpu.memory_space<vmem>> -> memref<1x125xi32, #tpu.memory_space<vmem>>
      %dma_start3A_102 = tpu.memref_squeeze %dma_start3A_101 : memref<1x125xi32, #tpu.memory_space<vmem>> -> memref<125xi32, #tpu.memory_space<vmem>>
      %dma_start3A_103 = arith.constant 0 : i32
      %dma_start3A_104 = arith.constant 0 : i32
      %dma_start3A_105 = tpu.memref_slice %arg11[%dma_start3A_103, %dma_start3A_104] : memref<10112x128xf32, #tpu.memory_space<vmem_shared>> -> memref<10112x128xf32, #tpu.memory_space<vmem_shared>>
      tpu.enqueue_indirect_dma source(%arg10 : memref<125x128xf32, #tpu.memory_space<vmem>>) target(%dma_start3A_105 : memref<10112x128xf32, #tpu.memory_space<vmem_shared>>) offsets(%dma_start3A_102 : memref<125xi32, #tpu.memory_space<vmem>>) semaphore(%arg15 : memref<!tpu.dma_semaphore, #tpu.memory_space<semaphore_mem>>) {add = true}
      %lt3A = arith.constant 40 : i32
      %lt3A_106 = arith.cmpi slt, %add3A_73, %lt3A : i32
      %convert_element_type3A_107 = arith.extui %lt3A_106 : i1 to i32
      %cond3A_108 = arith.constant 0 : i32
      %cond3A_109 = arith.cmpi ne, %convert_element_type3A_107, %cond3A_108 : i32
      scf.if %cond3A_109 {
        %dma_wait3A_110 = arith.constant 0 : i32
        %dma_wait3A_111 = arith.constant 0 : i32
        %dma_wait3A_112 = tpu.memref_slice %arg8[%dma_wait3A_110, %dma_wait3A_111] : memref<40x125xi32, #tpu.memory_space<vmem>> -> memref<1x125xi32, #tpu.memory_space<vmem>>
        %dma_wait3A_113 = tpu.memref_squeeze %dma_wait3A_112 : memref<1x125xi32, #tpu.memory_space<vmem>> -> memref<125xi32, #tpu.memory_space<vmem>>
        %dma_wait3A_114 = arith.constant 0 : i32
        %dma_wait3A_115 = arith.constant 0 : i32
        %dma_wait3A_116 = tpu.memref_slice %arg11[%dma_wait3A_114, %dma_wait3A_115] : memref<10112x128xf32, #tpu.memory_space<vmem_shared>> -> memref<10112x128xf32, #tpu.memory_space<vmem_shared>>
        tpu.wait_indirect_dma semaphore(%arg14 : memref<!tpu.dma_semaphore, #tpu.memory_space<semaphore_mem>>) src(%arg9 : memref<125x128xf32, #tpu.memory_space<vmem>>) dst(%dma_wait3A_116 : memref<10112x128xf32, #tpu.memory_space<vmem_shared>>)
        %dma_start3A_117 = arith.constant 0 : i32
        %dma_start3A_118 = tpu.memref_slice %arg7[%add3A_73, %dma_start3A_117] : memref<40x125xi32, #tpu.memory_space<vmem>> -> memref<1x125xi32, #tpu.memory_space<vmem>>
        %dma_start3A_119 = tpu.memref_squeeze %dma_start3A_118 : memref<1x125xi32, #tpu.memory_space<vmem>> -> memref<125xi32, #tpu.memory_space<vmem>>
        %dma_start3A_120 = arith.constant 0 : i32
        %dma_start3A_121 = arith.constant 0 : i32
        %dma_start3A_122 = tpu.memref_slice %arg2[%dma_start3A_120, %dma_start3A_121] : memref<10000x128xf32, #tpu.memory_space<hbm>> -> memref<10000x128xf32, #tpu.memory_space<hbm>>
        tpu.enqueue_indirect_dma source(%dma_start3A_122 : memref<10000x128xf32, #tpu.memory_space<hbm>>) target(%arg9 : memref<125x128xf32, #tpu.memory_space<vmem>>) offsets(%dma_start3A_119 : memref<125xi32, #tpu.memory_space<vmem>>) semaphore(%arg12 : memref<!tpu.dma_semaphore, #tpu.memory_space<semaphore_mem>>)
      } else {
      }
    }
    %scan3A_17 = arith.constant 20 : i32
    %dma_wait3A_18 = arith.constant 0 : i32
    %dma_wait3A_19 = arith.constant 0 : i32
    %dma_wait3A_20 = tpu.memref_slice %arg8[%dma_wait3A_18, %dma_wait3A_19] : memref<40x125xi32, #tpu.memory_space<vmem>> -> memref<1x125xi32, #tpu.memory_space<vmem>>
    %dma_wait3A_21 = tpu.memref_squeeze %dma_wait3A_20 : memref<1x125xi32, #tpu.memory_space<vmem>> -> memref<125xi32, #tpu.memory_space<vmem>>
    %dma_wait3A_22 = arith.constant 0 : i32
    %dma_wait3A_23 = arith.constant 0 : i32
    %dma_wait3A_24 = tpu.memref_slice %arg11[%dma_wait3A_22, %dma_wait3A_23] : memref<10112x128xf32, #tpu.memory_space<vmem_shared>> -> memref<10112x128xf32, #tpu.memory_space<vmem_shared>>
    tpu.wait_indirect_dma semaphore(%arg14 : memref<!tpu.dma_semaphore, #tpu.memory_space<semaphore_mem>>) src(%arg9 : memref<125x128xf32, #tpu.memory_space<vmem>>) dst(%dma_wait3A_24 : memref<10112x128xf32, #tpu.memory_space<vmem_shared>>)
    %dma_wait3A_25 = arith.constant 0 : i32
    %dma_wait3A_26 = arith.constant 0 : i32
    %dma_wait3A_27 = tpu.memref_slice %arg8[%dma_wait3A_25, %dma_wait3A_26] : memref<40x125xi32, #tpu.memory_space<vmem>> -> memref<1x125xi32, #tpu.memory_space<vmem>>
    %dma_wait3A_28 = tpu.memref_squeeze %dma_wait3A_27 : memref<1x125xi32, #tpu.memory_space<vmem>> -> memref<125xi32, #tpu.memory_space<vmem>>
    %dma_wait3A_29 = arith.constant 0 : i32
    %dma_wait3A_30 = arith.constant 0 : i32
    %dma_wait3A_31 = tpu.memref_slice %arg11[%dma_wait3A_29, %dma_wait3A_30] : memref<10112x128xf32, #tpu.memory_space<vmem_shared>> -> memref<10112x128xf32, #tpu.memory_space<vmem_shared>>
    tpu.wait_indirect_dma semaphore(%arg15 : memref<!tpu.dma_semaphore, #tpu.memory_space<semaphore_mem>>) src(%arg10 : memref<125x128xf32, #tpu.memory_space<vmem>>) dst(%dma_wait3A_31 : memref<10112x128xf32, #tpu.memory_space<vmem_shared>>)
    "tpu.region"() ({
      %run_scoped3A = tpu.sem_alloc : memref<!tpu.dma_semaphore, #tpu.memory_space<semaphore_mem>>
      %dma_start3A_63 = arith.constant 40 : i32
      %dma_start3A_64 = arith.constant 0 : i32
      %dma_start3A_65 = tpu.memref_slice %arg3[%add3A, %dma_start3A_63, %dma_start3A_64] : memref<32x80x125xi32, #tpu.memory_space<hbm>> -> memref<1x40x125xi32, #tpu.memory_space<hbm>>
      %dma_start3A_66 = tpu.memref_squeeze %dma_start3A_65 : memref<1x40x125xi32, #tpu.memory_space<hbm>> -> memref<40x125xi32, #tpu.memory_space<hbm>>
      %dma_start3A_67 = arith.constant 40 : i32
      %dma_start3A_68 = arith.constant 0 : i32
      %dma_start3A_69 = tpu.memref_slice %arg3[%add3A, %dma_start3A_67, %dma_start3A_68] : memref<32x80x125xi32, #tpu.memory_space<hbm>> -> memref<1x40x125xi32, #tpu.memory_space<hbm>>
      %dma_start3A_70 = tpu.memref_squeeze %dma_start3A_69 : memref<1x40x125xi32, #tpu.memory_space<hbm>> -> memref<40x125xi32, #tpu.memory_space<hbm>>
      tpu.enqueue_dma source(%dma_start3A_70 : memref<40x125xi32, #tpu.memory_space<hbm>>) target(%arg7 : memref<40x125xi32, #tpu.memory_space<vmem>>) target_semaphore(%run_scoped3A : memref<!tpu.dma_semaphore, #tpu.memory_space<semaphore_mem>>)
      %dma_wait3A_71 = arith.constant 40 : i32
      %dma_wait3A_72 = arith.constant 0 : i32
      %dma_wait3A_73 = tpu.memref_slice %arg3[%add3A, %dma_wait3A_71, %dma_wait3A_72] : memref<32x80x125xi32, #tpu.memory_space<hbm>> -> memref<1x40x125xi32, #tpu.memory_space<hbm>>
      %dma_wait3A_74 = tpu.memref_squeeze %dma_wait3A_73 : memref<1x40x125xi32, #tpu.memory_space<hbm>> -> memref<40x125xi32, #tpu.memory_space<hbm>>
      %dma_wait3A_75 = arith.constant 40 : i32
      %dma_wait3A_76 = arith.constant 0 : i32
      %dma_wait3A_77 = tpu.memref_slice %arg3[%add3A, %dma_wait3A_75, %dma_wait3A_76] : memref<32x80x125xi32, #tpu.memory_space<hbm>> -> memref<1x40x125xi32, #tpu.memory_space<hbm>>
      %dma_wait3A_78 = tpu.memref_squeeze %dma_wait3A_77 : memref<1x40x125xi32, #tpu.memory_space<hbm>> -> memref<40x125xi32, #tpu.memory_space<hbm>>
      tpu.wait_dma2 semaphore(%run_scoped3A : memref<!tpu.dma_semaphore, #tpu.memory_space<semaphore_mem>>) src(%dma_wait3A_78 : memref<40x125xi32, #tpu.memory_space<hbm>>) dst(%arg7 : memref<40x125xi32, #tpu.memory_space<vmem>>)
      tpu.yield
    }) : () -> ()
    "tpu.region"() ({
      %run_scoped3A = tpu.sem_alloc : memref<!tpu.dma_semaphore, #tpu.memory_space<semaphore_mem>>
      %dma_start3A_63 = arith.constant 40 : i32
      %dma_start3A_64 = arith.constant 0 : i32
      %dma_start3A_65 = tpu.memref_slice %arg4[%add3A, %dma_start3A_63, %dma_start3A_64] : memref<32x80x125xi32, #tpu.memory_space<hbm>> -> memref<1x40x125xi32, #tpu.memory_space<hbm>>
      %dma_start3A_66 = tpu.memref_squeeze %dma_start3A_65 : memref<1x40x125xi32, #tpu.memory_space<hbm>> -> memref<40x125xi32, #tpu.memory_space<hbm>>
      %dma_start3A_67 = arith.constant 40 : i32
      %dma_start3A_68 = arith.constant 0 : i32
      %dma_start3A_69 = tpu.memref_slice %arg4[%add3A, %dma_start3A_67, %dma_start3A_68] : memref<32x80x125xi32, #tpu.memory_space<hbm>> -> memref<1x40x125xi32, #tpu.memory_space<hbm>>
      %dma_start3A_70 = tpu.memref_squeeze %dma_start3A_69 : memref<1x40x125xi32, #tpu.memory_space<hbm>> -> memref<40x125xi32, #tpu.memory_space<hbm>>
      tpu.enqueue_dma source(%dma_start3A_70 : memref<40x125xi32, #tpu.memory_space<hbm>>) target(%arg8 : memref<40x125xi32, #tpu.memory_space<vmem>>) target_semaphore(%run_scoped3A : memref<!tpu.dma_semaphore, #tpu.memory_space<semaphore_mem>>)
      %dma_wait3A_71 = arith.constant 40 : i32
      %dma_wait3A_72 = arith.constant 0 : i32
      %dma_wait3A_73 = tpu.memref_slice %arg4[%add3A, %dma_wait3A_71, %dma_wait3A_72] : memref<32x80x125xi32, #tpu.memory_space<hbm>> -> memref<1x40x125xi32, #tpu.memory_space<hbm>>
      %dma_wait3A_74 = tpu.memref_squeeze %dma_wait3A_73 : memref<1x40x125xi32, #tpu.memory_space<hbm>> -> memref<40x125xi32, #tpu.memory_space<hbm>>
      %dma_wait3A_75 = arith.constant 40 : i32
      %dma_wait3A_76 = arith.constant 0 : i32
      %dma_wait3A_77 = tpu.memref_slice %arg4[%add3A, %dma_wait3A_75, %dma_wait3A_76] : memref<32x80x125xi32, #tpu.memory_space<hbm>> -> memref<1x40x125xi32, #tpu.memory_space<hbm>>
      %dma_wait3A_78 = tpu.memref_squeeze %dma_wait3A_77 : memref<1x40x125xi32, #tpu.memory_space<hbm>> -> memref<40x125xi32, #tpu.memory_space<hbm>>
      tpu.wait_dma2 semaphore(%run_scoped3A : memref<!tpu.dma_semaphore, #tpu.memory_space<semaphore_mem>>) src(%dma_wait3A_78 : memref<40x125xi32, #tpu.memory_space<hbm>>) dst(%arg8 : memref<40x125xi32, #tpu.memory_space<vmem>>)
      tpu.yield
    }) : () -> ()
    %dma_start3A_32 = arith.constant 0 : i32
    %dma_start3A_33 = arith.constant 0 : i32
    %dma_start3A_34 = tpu.memref_slice %arg7[%dma_start3A_32, %dma_start3A_33] : memref<40x125xi32, #tpu.memory_space<vmem>> -> memref<1x125xi32, #tpu.memory_space<vmem>>
    %dma_start3A_35 = tpu.memref_squeeze %dma_start3A_34 : memref<1x125xi32, #tpu.memory_space<vmem>> -> memref<125xi32, #tpu.memory_space<vmem>>
    %dma_start3A_36 = arith.constant 0 : i32
    %dma_start3A_37 = arith.constant 0 : i32
    %dma_start3A_38 = tpu.memref_slice %arg2[%dma_start3A_36, %dma_start3A_37] : memref<10000x128xf32, #tpu.memory_space<hbm>> -> memref<10000x128xf32, #tpu.memory_space<hbm>>
    tpu.enqueue_indirect_dma source(%dma_start3A_38 : memref<10000x128xf32, #tpu.memory_space<hbm>>) target(%arg9 : memref<125x128xf32, #tpu.memory_space<vmem>>) offsets(%dma_start3A_35 : memref<125xi32, #tpu.memory_space<vmem>>) semaphore(%arg12 : memref<!tpu.dma_semaphore, #tpu.memory_space<semaphore_mem>>)
    %scan3A_39 = arith.constant 0 : i32
    %scan3A_40 = arith.constant 20 : i32
    %scan3A_41 = arith.addi %scan3A_39, %scan3A_40 : i32
    %scan3A_42 = arith.constant 1 : i32
    scf.for %scan3A_63 = %scan3A_39 to %scan3A_41 step %scan3A_42  : i32 {
      %mul3A_64 = arith.constant 2 : i32
      %mul3A_65 = arith.muli %mul3A_64, %scan3A_63 : i32
      %mul3A_66 = arith.constant 2 : i32
      %mul3A_67 = arith.muli %mul3A_66, %scan3A_63 : i32
      %add3A_68 = arith.constant 1 : i32
      %add3A_69 = arith.addi %mul3A_67, %add3A_68 : i32
      %mul3A_70 = arith.constant 2 : i32
      %mul3A_71 = arith.muli %mul3A_70, %scan3A_63 : i32
      %add3A_72 = arith.constant 2 : i32
      %add3A_73 = arith.addi %mul3A_71, %add3A_72 : i32
      %dma_wait3A_74 = arith.constant 0 : i32
      %dma_wait3A_75 = tpu.memref_slice %arg7[%mul3A_65, %dma_wait3A_74] : memref<40x125xi32, #tpu.memory_space<vmem>> -> memref<1x125xi32, #tpu.memory_space<vmem>>
      %dma_wait3A_76 = tpu.memref_squeeze %dma_wait3A_75 : memref<1x125xi32, #tpu.memory_space<vmem>> -> memref<125xi32, #tpu.memory_space<vmem>>
      %dma_wait3A_77 = arith.constant 0 : i32
      %dma_wait3A_78 = arith.constant 0 : i32
      %dma_wait3A_79 = tpu.memref_slice %arg2[%dma_wait3A_77, %dma_wait3A_78] : memref<10000x128xf32, #tpu.memory_space<hbm>> -> memref<10000x128xf32, #tpu.memory_space<hbm>>
      tpu.wait_indirect_dma semaphore(%arg12 : memref<!tpu.dma_semaphore, #tpu.memory_space<semaphore_mem>>) src(%dma_wait3A_79 : memref<10000x128xf32, #tpu.memory_space<hbm>>) dst(%arg9 : memref<125x128xf32, #tpu.memory_space<vmem>>)
      %dma_start3A_80 = arith.constant 0 : i32
      %dma_start3A_81 = tpu.memref_slice %arg8[%mul3A_65, %dma_start3A_80] : memref<40x125xi32, #tpu.memory_space<vmem>> -> memref<1x125xi32, #tpu.memory_space<vmem>>
      %dma_start3A_82 = tpu.memref_squeeze %dma_start3A_81 : memref<1x125xi32, #tpu.memory_space<vmem>> -> memref<125xi32, #tpu.memory_space<vmem>>
      %dma_start3A_83 = arith.constant 0 : i32
      %dma_start3A_84 = arith.constant 0 : i32
      %dma_start3A_85 = tpu.memref_slice %arg11[%dma_start3A_83, %dma_start3A_84] : memref<10112x128xf32, #tpu.memory_space<vmem_shared>> -> memref<10112x128xf32, #tpu.memory_space<vmem_shared>>
      tpu.enqueue_indirect_dma source(%arg9 : memref<125x128xf32, #tpu.memory_space<vmem>>) target(%dma_start3A_85 : memref<10112x128xf32, #tpu.memory_space<vmem_shared>>) offsets(%dma_start3A_82 : memref<125xi32, #tpu.memory_space<vmem>>) semaphore(%arg14 : memref<!tpu.dma_semaphore, #tpu.memory_space<semaphore_mem>>) {add = true}
      %gt3A = arith.constant 0 : i32
      %gt3A_86 = arith.cmpi sgt, %scan3A_63, %gt3A : i32
      %convert_element_type3A = arith.extui %gt3A_86 : i1 to i32
      %cond3A = arith.constant 0 : i32
      %cond3A_87 = arith.cmpi ne, %convert_element_type3A, %cond3A : i32
      scf.if %cond3A_87 {
        %dma_wait3A_110 = arith.constant 0 : i32
        %dma_wait3A_111 = arith.constant 0 : i32
        %dma_wait3A_112 = tpu.memref_slice %arg8[%dma_wait3A_110, %dma_wait3A_111] : memref<40x125xi32, #tpu.memory_space<vmem>> -> memref<1x125xi32, #tpu.memory_space<vmem>>
        %dma_wait3A_113 = tpu.memref_squeeze %dma_wait3A_112 : memref<1x125xi32, #tpu.memory_space<vmem>> -> memref<125xi32, #tpu.memory_space<vmem>>
        %dma_wait3A_114 = arith.constant 0 : i32
        %dma_wait3A_115 = arith.constant 0 : i32
        %dma_wait3A_116 = tpu.memref_slice %arg11[%dma_wait3A_114, %dma_wait3A_115] : memref<10112x128xf32, #tpu.memory_space<vmem_shared>> -> memref<10112x128xf32, #tpu.memory_space<vmem_shared>>
        tpu.wait_indirect_dma semaphore(%arg15 : memref<!tpu.dma_semaphore, #tpu.memory_space<semaphore_mem>>) src(%arg10 : memref<125x128xf32, #tpu.memory_space<vmem>>) dst(%dma_wait3A_116 : memref<10112x128xf32, #tpu.memory_space<vmem_shared>>)
      } else {
      }
      %dma_start3A_88 = arith.constant 0 : i32
      %dma_start3A_89 = tpu.memref_slice %arg7[%add3A_69, %dma_start3A_88] : memref<40x125xi32, #tpu.memory_space<vmem>> -> memref<1x125xi32, #tpu.memory_space<vmem>>
      %dma_start3A_90 = tpu.memref_squeeze %dma_start3A_89 : memref<1x125xi32, #tpu.memory_space<vmem>> -> memref<125xi32, #tpu.memory_space<vmem>>
      %dma_start3A_91 = arith.constant 0 : i32
      %dma_start3A_92 = arith.constant 0 : i32
      %dma_start3A_93 = tpu.memref_slice %arg2[%dma_start3A_91, %dma_start3A_92] : memref<10000x128xf32, #tpu.memory_space<hbm>> -> memref<10000x128xf32, #tpu.memory_space<hbm>>
      tpu.enqueue_indirect_dma source(%dma_start3A_93 : memref<10000x128xf32, #tpu.memory_space<hbm>>) target(%arg10 : memref<125x128xf32, #tpu.memory_space<vmem>>) offsets(%dma_start3A_90 : memref<125xi32, #tpu.memory_space<vmem>>) semaphore(%arg13 : memref<!tpu.dma_semaphore, #tpu.memory_space<semaphore_mem>>)
      %dma_wait3A_94 = arith.constant 0 : i32
      %dma_wait3A_95 = tpu.memref_slice %arg7[%add3A_69, %dma_wait3A_94] : memref<40x125xi32, #tpu.memory_space<vmem>> -> memref<1x125xi32, #tpu.memory_space<vmem>>
      %dma_wait3A_96 = tpu.memref_squeeze %dma_wait3A_95 : memref<1x125xi32, #tpu.memory_space<vmem>> -> memref<125xi32, #tpu.memory_space<vmem>>
      %dma_wait3A_97 = arith.constant 0 : i32
      %dma_wait3A_98 = arith.constant 0 : i32
      %dma_wait3A_99 = tpu.memref_slice %arg2[%dma_wait3A_97, %dma_wait3A_98] : memref<10000x128xf32, #tpu.memory_space<hbm>> -> memref<10000x128xf32, #tpu.memory_space<hbm>>
      tpu.wait_indirect_dma semaphore(%arg13 : memref<!tpu.dma_semaphore, #tpu.memory_space<semaphore_mem>>) src(%dma_wait3A_99 : memref<10000x128xf32, #tpu.memory_space<hbm>>) dst(%arg10 : memref<125x128xf32, #tpu.memory_space<vmem>>)
      %dma_start3A_100 = arith.constant 0 : i32
      %dma_start3A_101 = tpu.memref_slice %arg8[%add3A_69, %dma_start3A_100] : memref<40x125xi32, #tpu.memory_space<vmem>> -> memref<1x125xi32, #tpu.memory_space<vmem>>
      %dma_start3A_102 = tpu.memref_squeeze %dma_start3A_101 : memref<1x125xi32, #tpu.memory_space<vmem>> -> memref<125xi32, #tpu.memory_space<vmem>>
      %dma_start3A_103 = arith.constant 0 : i32
      %dma_start3A_104 = arith.constant 0 : i32
      %dma_start3A_105 = tpu.memref_slice %arg11[%dma_start3A_103, %dma_start3A_104] : memref<10112x128xf32, #tpu.memory_space<vmem_shared>> -> memref<10112x128xf32, #tpu.memory_space<vmem_shared>>
      tpu.enqueue_indirect_dma source(%arg10 : memref<125x128xf32, #tpu.memory_space<vmem>>) target(%dma_start3A_105 : memref<10112x128xf32, #tpu.memory_space<vmem_shared>>) offsets(%dma_start3A_102 : memref<125xi32, #tpu.memory_space<vmem>>) semaphore(%arg15 : memref<!tpu.dma_semaphore, #tpu.memory_space<semaphore_mem>>) {add = true}
      %lt3A = arith.constant 40 : i32
      %lt3A_106 = arith.cmpi slt, %add3A_73, %lt3A : i32
      %convert_element_type3A_107 = arith.extui %lt3A_106 : i1 to i32
      %cond3A_108 = arith.constant 0 : i32
      %cond3A_109 = arith.cmpi ne, %convert_element_type3A_107, %cond3A_108 : i32
      scf.if %cond3A_109 {
        %dma_wait3A_110 = arith.constant 0 : i32
        %dma_wait3A_111 = arith.constant 0 : i32
        %dma_wait3A_112 = tpu.memref_slice %arg8[%dma_wait3A_110, %dma_wait3A_111] : memref<40x125xi32, #tpu.memory_space<vmem>> -> memref<1x125xi32, #tpu.memory_space<vmem>>
        %dma_wait3A_113 = tpu.memref_squeeze %dma_wait3A_112 : memref<1x125xi32, #tpu.memory_space<vmem>> -> memref<125xi32, #tpu.memory_space<vmem>>
        %dma_wait3A_114 = arith.constant 0 : i32
        %dma_wait3A_115 = arith.constant 0 : i32
        %dma_wait3A_116 = tpu.memref_slice %arg11[%dma_wait3A_114, %dma_wait3A_115] : memref<10112x128xf32, #tpu.memory_space<vmem_shared>> -> memref<10112x128xf32, #tpu.memory_space<vmem_shared>>
        tpu.wait_indirect_dma semaphore(%arg14 : memref<!tpu.dma_semaphore, #tpu.memory_space<semaphore_mem>>) src(%arg9 : memref<125x128xf32, #tpu.memory_space<vmem>>) dst(%dma_wait3A_116 : memref<10112x128xf32, #tpu.memory_space<vmem_shared>>)
        %dma_start3A_117 = arith.constant 0 : i32
        %dma_start3A_118 = tpu.memref_slice %arg7[%add3A_73, %dma_start3A_117] : memref<40x125xi32, #tpu.memory_space<vmem>> -> memref<1x125xi32, #tpu.memory_space<vmem>>
        %dma_start3A_119 = tpu.memref_squeeze %dma_start3A_118 : memref<1x125xi32, #tpu.memory_space<vmem>> -> memref<125xi32, #tpu.memory_space<vmem>>
        %dma_start3A_120 = arith.constant 0 : i32
        %dma_start3A_121 = arith.constant 0 : i32
        %dma_start3A_122 = tpu.memref_slice %arg2[%dma_start3A_120, %dma_start3A_121] : memref<10000x128xf32, #tpu.memory_space<hbm>> -> memref<10000x128xf32, #tpu.memory_space<hbm>>
        tpu.enqueue_indirect_dma source(%dma_start3A_122 : memref<10000x128xf32, #tpu.memory_space<hbm>>) target(%arg9 : memref<125x128xf32, #tpu.memory_space<vmem>>) offsets(%dma_start3A_119 : memref<125xi32, #tpu.memory_space<vmem>>) semaphore(%arg12 : memref<!tpu.dma_semaphore, #tpu.memory_space<semaphore_mem>>)
      } else {
      }
    }
    %scan3A_43 = arith.constant 20 : i32
    %dma_wait3A_44 = arith.constant 0 : i32
    %dma_wait3A_45 = arith.constant 0 : i32
    %dma_wait3A_46 = tpu.memref_slice %arg8[%dma_wait3A_44, %dma_wait3A_45] : memref<40x125xi32, #tpu.memory_space<vmem>> -> memref<1x125xi32, #tpu.memory_space<vmem>>
    %dma_wait3A_47 = tpu.memref_squeeze %dma_wait3A_46 : memref<1x125xi32, #tpu.memory_space<vmem>> -> memref<125xi32, #tpu.memory_space<vmem>>
    %dma_wait3A_48 = arith.constant 0 : i32
    %dma_wait3A_49 = arith.constant 0 : i32
    %dma_wait3A_50 = tpu.memref_slice %arg11[%dma_wait3A_48, %dma_wait3A_49] : memref<10112x128xf32, #tpu.memory_space<vmem_shared>> -> memref<10112x128xf32, #tpu.memory_space<vmem_shared>>
    tpu.wait_indirect_dma semaphore(%arg14 : memref<!tpu.dma_semaphore, #tpu.memory_space<semaphore_mem>>) src(%arg9 : memref<125x128xf32, #tpu.memory_space<vmem>>) dst(%dma_wait3A_50 : memref<10112x128xf32, #tpu.memory_space<vmem_shared>>)
    %dma_wait3A_51 = arith.constant 0 : i32
    %dma_wait3A_52 = arith.constant 0 : i32
    %dma_wait3A_53 = tpu.memref_slice %arg8[%dma_wait3A_51, %dma_wait3A_52] : memref<40x125xi32, #tpu.memory_space<vmem>> -> memref<1x125xi32, #tpu.memory_space<vmem>>
    %dma_wait3A_54 = tpu.memref_squeeze %dma_wait3A_53 : memref<1x125xi32, #tpu.memory_space<vmem>> -> memref<125xi32, #tpu.memory_space<vmem>>
    %dma_wait3A_55 = arith.constant 0 : i32
    %dma_wait3A_56 = arith.constant 0 : i32
    %dma_wait3A_57 = tpu.memref_slice %arg11[%dma_wait3A_55, %dma_wait3A_56] : memref<10112x128xf32, #tpu.memory_space<vmem_shared>> -> memref<10112x128xf32, #tpu.memory_space<vmem_shared>>
    tpu.wait_indirect_dma semaphore(%arg15 : memref<!tpu.dma_semaphore, #tpu.memory_space<semaphore_mem>>) src(%arg10 : memref<125x128xf32, #tpu.memory_space<vmem>>) dst(%dma_wait3A_57 : memref<10112x128xf32, #tpu.memory_space<vmem_shared>>)
    %barrier3A_58 = arith.constant 0 : index
    tpu.barrier barrier_id(%barrier3A_58)
    %mul3A_59 = arith.constant 632 : i32
    %mul3A_60 = arith.muli %arg1, %mul3A_59 : i32
    %mul3A_61 = arith.constant 632 : i32
    %mul3A_62 = arith.muli %arg1, %mul3A_61 : i32
    "tpu.region"() ({
      %run_scoped3A = tpu.sem_alloc : memref<!tpu.dma_semaphore, #tpu.memory_space<semaphore_mem>>
      %dma_start3A_63 = arith.constant 0 : i32
      %dma_start3A_64 = tpu.memref_slice %arg6[%arg0, %mul3A_62, %dma_start3A_63] : memref<2x10112x128xf32, #tpu.memory_space<hbm>> -> memref<1x632x128xf32, #tpu.memory_space<hbm>>
      %dma_start3A_65 = tpu.memref_squeeze %dma_start3A_64 : memref<1x632x128xf32, #tpu.memory_space<hbm>> -> memref<632x128xf32, #tpu.memory_space<hbm>>
      %dma_start3A_66 = arith.constant 0 : i32
      %dma_start3A_67 = tpu.memref_slice %arg11[%mul3A_60, %dma_start3A_66] : memref<10112x128xf32, #tpu.memory_space<vmem_shared>> -> memref<632x128xf32, #tpu.memory_space<vmem_shared>>
      tpu.enqueue_dma source(%dma_start3A_67 : memref<632x128xf32, #tpu.memory_space<vmem_shared>>) target(%dma_start3A_65 : memref<632x128xf32, #tpu.memory_space<hbm>>) target_semaphore(%run_scoped3A : memref<!tpu.dma_semaphore, #tpu.memory_space<semaphore_mem>>)
      %dma_wait3A_68 = arith.constant 0 : i32
      %dma_wait3A_69 = tpu.memref_slice %arg6[%arg0, %mul3A_62, %dma_wait3A_68] : memref<2x10112x128xf32, #tpu.memory_space<hbm>> -> memref<1x632x128xf32, #tpu.memory_space<hbm>>
      %dma_wait3A_70 = tpu.memref_squeeze %dma_wait3A_69 : memref<1x632x128xf32, #tpu.memory_space<hbm>> -> memref<632x128xf32, #tpu.memory_space<hbm>>
      %dma_wait3A_71 = arith.constant 0 : i32
      %dma_wait3A_72 = tpu.memref_slice %arg11[%mul3A_60, %dma_wait3A_71] : memref<10112x128xf32, #tpu.memory_space<vmem_shared>> -> memref<632x128xf32, #tpu.memory_space<vmem_shared>>
      tpu.wait_dma2 semaphore(%run_scoped3A : memref<!tpu.dma_semaphore, #tpu.memory_space<semaphore_mem>>) src(%dma_wait3A_72 : memref<632x128xf32, #tpu.memory_space<vmem_shared>>) dst(%dma_wait3A_70 : memref<632x128xf32, #tpu.memory_space<hbm>>)
      tpu.yield
    }) : () -> ()
    return
  }
}

module attributes {stable_mosaic.version = 14 : i64} {
  func.func @_tc_linear_body(%arg0: i32, %arg1: memref<2x10112x128xf32, #tpu.memory_space<vmem>>, %arg2: memref<128x128xf32, #tpu.memory_space<vmem>>, %arg3: memref<1x128xf32, #tpu.memory_space<vmem>>, %arg4: memref<10000x128xf32, #tpu.memory_space<vmem>>) attributes {dimension_semantics = [#tpu.dimension_semantics<arbitrary>], iteration_bounds = array<i64: 1>, scalar_prefetch = 0 : i64, scratch_operands = 0 : i64, tpu.core_type = #tpu.core_type<tc>, window_params = [{pipeline_mode = #tpu.pipeline_mode<synchronous>, transform_indices = @transform_0, window_bounds = array<i64: 2, 10112, 128>}, {pipeline_mode = #tpu.pipeline_mode<synchronous>, transform_indices = @transform_1, window_bounds = array<i64: 128, 128>}, {pipeline_mode = #tpu.pipeline_mode<synchronous>, transform_indices = @transform_2, window_bounds = array<i64: 1, 128>}, {pipeline_mode = #tpu.pipeline_mode<synchronous>, transform_indices = @transform_3, window_bounds = array<i64: 10000, 128>}]} {
    %get3A = arith.constant 0 : index
    %get3A_0 = arith.constant 0 : index
    %get3A_1 = arith.constant 0 : index
    %get3A_2 = vector.load %arg1[%get3A, %get3A_0, %get3A_1] : memref<2x10112x128xf32, #tpu.memory_space<vmem>>, vector<1x10000x128xf32>
    %get3A_3 = vector.shape_cast %get3A_2 : vector<1x10000x128xf32> to vector<10000x128xf32>
    %get3A_4 = arith.constant 1 : index
    %get3A_5 = arith.constant 0 : index
    %get3A_6 = arith.constant 0 : index
    %get3A_7 = vector.load %arg1[%get3A_4, %get3A_5, %get3A_6] : memref<2x10112x128xf32, #tpu.memory_space<vmem>>, vector<1x10000x128xf32>
    %get3A_8 = vector.shape_cast %get3A_7 : vector<1x10000x128xf32> to vector<10000x128xf32>
    %add3A = arith.addf %get3A_3, %get3A_8 : vector<10000x128xf32>
    %get3A_9 = arith.constant 0 : index
    %get3A_10 = arith.constant 0 : index
    %get3A_11 = vector.load %arg2[%get3A_9, %get3A_10] : memref<128x128xf32, #tpu.memory_space<vmem>>, vector<128x128xf32>
    %dot_general3A = arith.constant dense<0.000000e+00> : vector<10000x128xf32>
    %dot_general3A_12 = tpu.matmul %add3A, %get3A_11, %dot_general3A {dimension_numbers = #tpu.dot_dimension_numbers<[1], [1], [0], [0], [0, 0, 1, 0], [], []>, transpose_lhs_hint = false} : vector<10000x128xf32>, vector<128x128xf32>, vector<10000x128xf32> -> vector<10000x128xf32>
    %get3A_13 = arith.constant 0 : index
    %get3A_14 = arith.constant 0 : index
    %get3A_15 = vector.load %arg3[%get3A_13, %get3A_14] : memref<1x128xf32, #tpu.memory_space<vmem>>, vector<1x128xf32>
    %add3A_16 = vector.broadcast %get3A_15 : vector<1x128xf32> to vector<10000x128xf32>
    %add3A_17 = arith.addf %dot_general3A_12, %add3A_16 : vector<10000x128xf32>
    %max3A = arith.constant 0.000000e+00 : f32
    %max3A_18 = vector.broadcast %max3A : f32 to vector<10000x128xf32>
    %max3A_19 = arith.maximumf %add3A_17, %max3A_18 : vector<10000x128xf32>
    %swap3A = arith.constant 0 : index
    %swap3A_20 = arith.constant 0 : index
    %swap3A_21 = vector.load %arg4[%swap3A, %swap3A_20] : memref<10000x128xf32, #tpu.memory_space<vmem>>, vector<10000x128xf32>
    tpu.vector_store %arg4[%swap3A, %swap3A_20], %max3A_19 {strides = array<i32>} : memref<10000x128xf32, #tpu.memory_space<vmem>>, vector<10000x128xf32>,
    return
  }
  func.func @transform_0(%arg0: i32) -> (i32, i32, i32) {
    %c0_i32 = arith.constant 0 : i32
    %c0_i32_0 = arith.constant 0 : i32
    %c0_i32_1 = arith.constant 0 : i32
    %c0_i32_2 = arith.constant 0 : i32
    return %c0_i32, %c0_i32_0, %c0_i32_1 : i32, i32, i32
  }
  func.func @transform_1(%arg0: i32) -> (i32, i32) {
    %c0_i32 = arith.constant 0 : i32
    %c0_i32_0 = arith.constant 0 : i32
    %c0_i32_1 = arith.constant 0 : i32
    return %c0_i32, %c0_i32_0 : i32, i32
  }
  func.func @transform_2(%arg0: i32) -> (i32, i32) {
    %c0_i32 = arith.constant 0 : i32
    %c0_i32_0 = arith.constant 0 : i32
    %c0_i32_1 = arith.constant 0 : i32
    return %c0_i32, %c0_i32_0 : i32, i32
  }
  func.func @transform_3(%arg0: i32) -> (i32, i32) {
    %c0_i32 = arith.constant 0 : i32
    %c0_i32_0 = arith.constant 0 : i32
    %c0_i32_1 = arith.constant 0 : i32
    return %c0_i32, %c0_i32_0 : i32, i32
  }
}

</mosaic_0001>

<sc_bundles>
// kernel: kernel.4.cloned.1.call-start
scs
__scs_entry_jumppad:
0x0: {  	(pc) =	sbr.rel $0x88, $3  }
0x1: {  	(tag) =	ssettag $0x0;
	lr =	simm.s32 $0x1  }
0x2: {  	[smem:$0x3F9D] =	sst lr;
	_ =	strace $0xD0000000  }
0x3: {  	_ = 	snop  }
0x4: {  	_ = 	snop  }
0x5: {  	_ = 	snop  }
0x6: {  	_ = 	snop  }
0x7: {  	_ = 	snop  }
__scs_overlays_trampoline_lowered:
0x8: {  	[smem:$0x3FAC] =	sst s0  }
0x9: {  	[smem:$0x3FAD] =	sst s1  }
0xa: {  	[smem:$0x3FAE] =	sst s2  }
0xb: {  	[smem:$0x3FAF] =	sst s3  }
0xc: {  	[smem:$0x3FB0] =	sst s4  }
0xd: {  	[smem:$0x3FB1] =	sst s5  }
0xe: {  	[smem:$0x3FB2] =	sst s6  }
0xf: {  	[smem:$0x3FB3] =	sst s7  }
0x10: {  	[smem:$0x3FB4] =	sst s8  }
0x11: {  	[smem:$0x3FB5] =	sst s9;
	s0 =	simm.s32 @!p0 $0x0  }
0x12: {  	s1 =	sld [smem:$0x3F9B];
	s0 =	simm.s32 @p0 $0x1  }
0x13: {  	[smem:$0x3FB6] =	sst s0;
	s0 =	simm.s32 @!p1 $0x0  }
0x14: {  	s2 =	sld [smem:$0x3F9A];
	s0 =	simm.s32 @p1 $0x1  }
0x15: {  	[smem:$0x3FB7] =	sst s0;
	s0 =	simm.s32 @!p2 $0x0  }
0x16: {  	s3 =	sld [smem:$0x3FDB];
	s0 =	simm.s32 @p2 $0x1  }
0x17: {  	s4 =	simm.s32 $0x1BF5;
	[smem:$0x3FB9] =	sst s0  }
0x18: {  	s0 =	sld [smem:$0x3F9C];
	_ =	swait.ge [sflag:s4], $0x0  }
0x19: {  	s7 =	sld [smem:$0x3F9D]  }
0x1a: {  	s8 =	sadd.s32 $0xFFFFE003, lr  }
0x1b: {  	s9 =	sadd.s32 $0xFFFFFEF7, lr;
	s5 =	simm.s32 $0xFFFFFFFF;
	p2 =	slt.u32 s8, $0xFFFFF086  }
0x1c: {  	p1 =	slt.u32 s9, $0xF7A;
	s5 =	simm.s32 @!p2 $0x0  }
0x1d: {  	s5 =	simm.s32 @p1 $0x1;
	p0 =	seq.s32 s7, s2  }
0x1e: {  	s7 =	smul.u32 @!p0 $0xF7A, s2;
	p2 =	seq.s32 @!p0 s5, $0x0  }
0x1f: {  	s9 =	smul.u32 $0xF7A, s1;
	s8 =	simm.s32 @!p0 $0x1BF5;
	p2 =	por !p2, p0  }
0x20: {  	[sflag:s8] =	ssyncset.s32 @!p0 $0xFFFFF086;
	s6 =	sadd.s32 @!p0 s3, s7;
	s7 =	simm.s32 @!p0 $0x108  }
0x21: {  	s3 =	sadd.s32 s3, s9;
	s6 =	sadd.s32 @!p0 $0x88, s6;
	s7 =	simm.s32 @p2 $0x1082  }
0x22: {  	[simem:s7], [sflag:s8] =	dma.local @!p0 [hbm:s6], $0xF7A  }
0x23: {  	s9 =	sor.u32 $0xD0000000, s2;
	s6 =	simm.s32 $0x108;
	_ =	swait.ge @!p0 [sflag:s8], $0x0  }
0x24: {  	s3 =	sadd.s32 $0x88, s3;
	s6 =	simm.s32 @!p1 $0x1082;
	[sflag:s4] =	ssyncset.s32 $0xFFFFF086  }
0x25: {  	[simem:s6], [sflag:s4] =	dma.local [hbm:s3], $0xF7A  }
0x26: {  	[smem:$0x3F9D] =	sst s1;
	(tag) =	ssettag s2;
	_ =	strace s9  }
0x27: {  	s1 =	sld [smem:$0x3FAD]  }
0x28: {  	s2 =	sld [smem:$0x3FAE]  }
0x29: {  	s4 =	sld [smem:$0x3FB0]  }
0x2a: {  	p0 =	seq.s32 s5, $0x0;
	s5 =	sld [smem:$0x3FB1]  }
0x2b: {  	s6 =	sld [smem:$0x3FB2]  }
0x2c: {  	s7 =	sld [smem:$0x3FB3]  }
0x2d: {  	s3 =	simm.s32 $0x108;
	s8 =	sld [smem:$0x3FB4]  }
0x2e: {  	s3 =	simm.s32 @!p0 $0x1082;
	s9 =	sld [smem:$0x3FB5]  }
0x2f: {  	lr =	sadd.s32 s0, s3;
	s0 =	sld [smem:$0x3FAC]  }
0x30: {  	s3 =	sld [smem:$0x3FAF]  }
0x31: {  	[smem:$0x3FB8] =	sst s10  }
0x32: {  	s10 =	sld [smem:$0x3FB6];
	_ =	sdelay $0x3  }
0x33: {  	p0 =	seq.s32 s10, $0x1;
	s10 =	sld [smem:$0x3FB8];
	_ =	sdelay $0x3  }
0x34: {  	[smem:$0x3FB8] =	sst s10  }
0x35: {  	s10 =	sld [smem:$0x3FB7];
	_ =	sdelay $0x3  }
0x36: {  	p1 =	seq.s32 s10, $0x1;
	s10 =	sld [smem:$0x3FB8];
	_ =	sdelay $0x3  }
0x37: {  	[smem:$0x3FB8] =	sst s10  }
0x38: {  	s10 =	sld [smem:$0x3FB9]  }
0x39: {  	_ = 	snop;
	(pc) =	sbr.ind lr, $3  }
0x3a: {  	_ = 	snop  }
0x3b: {  	_ = 	snop  }
0x3c: {  	p2 =	seq.s32 s10, $0x1;
	s10 =	sld [smem:$0x3FB8]  }
0x3d: {  	_ =	shalt  }
0x3e: {  	_ =	shalt  }
0x3f: {  	_ =	shalt  }
0x40: {  	_ =	shalt  }
0x41: {  	_ =	shalt  }
0x42: {  	_ =	shalt  }
0x43: {  	_ =	shalt  }
0x44: {  	_ =	shalt  }
0x45: {  	_ =	shalt  }
0x46: {  	_ =	shalt  }
0x47: {  	_ =	shalt  }
0x48: {  	_ =	shalt  }
0x49: {  	_ =	shalt  }
0x4a: {  	_ =	shalt  }
0x4b: {  	_ =	shalt  }
0x4c: {  	_ =	shalt  }
0x4d: {  	_ =	shalt  }
0x4e: {  	_ =	shalt  }
0x4f: {  	_ =	shalt  }
0x50: {  	_ =	shalt  }
0x51: {  	_ =	shalt  }
0x52: {  	_ =	shalt  }
0x53: {  	_ =	shalt  }
0x54: {  	_ =	shalt  }
0x55: {  	_ =	shalt  }
0x56: {  	_ =	shalt  }
0x57: {  	_ =	shalt  }
0x58: {  	_ =	shalt  }
0x59: {  	_ =	shalt  }
0x5a: {  	_ =	shalt  }
0x5b: {  	_ =	shalt  }
0x5c: {  	_ =	shalt  }
0x5d: {  	_ =	shalt  }
0x5e: {  	_ =	shalt  }
0x5f: {  	_ =	shalt  }
0x60: {  	_ =	shalt  }
0x61: {  	_ =	shalt  }
0x62: {  	_ =	shalt  }
0x63: {  	_ =	shalt  }
0x64: {  	_ =	shalt  }
0x65: {  	_ =	shalt  }
0x66: {  	_ =	shalt  }
0x67: {  	_ =	shalt  }
0x68: {  	_ =	shalt  }
0x69: {  	_ =	shalt  }
0x6a: {  	_ =	shalt  }
0x6b: {  	_ =	shalt  }
0x6c: {  	_ =	shalt  }
0x6d: {  	_ =	shalt  }
0x6e: {  	_ =	shalt  }
0x6f: {  	_ =	shalt  }
0x70: {  	_ =	shalt  }
0x71: {  	_ =	shalt  }
0x72: {  	_ =	shalt  }
0x73: {  	_ =	shalt  }
0x74: {  	_ =	shalt  }
0x75: {  	_ =	shalt  }
0x76: {  	_ =	shalt  }
0x77: {  	_ =	shalt  }
0x78: {  	_ =	shalt  }
0x79: {  	_ =	shalt  }
0x7a: {  	_ =	shalt  }
0x7b: {  	_ =	shalt  }
0x7c: {  	_ =	shalt  }
0x7d: {  	_ =	shalt  }
0x7e: {  	_ =	shalt  }
0x7f: {  	_ =	shalt  }
0x80: {  	_ =	shalt  }
0x81: {  	_ =	shalt  }
0x82: {  	_ =	shalt  }
0x83: {  	_ =	shalt  }
0x84: {  	_ =	shalt  }
0x85: {  	_ =	shalt  }
0x86: {  	_ =	shalt  }
0x87: {  	_ =	shalt  }
.Lfunc_end0:
.L_simem_size_0:
called_computation_lowered:
.L_overlay_start_0:
0x88: {  	s2 =	sld [smem:$0x3FD9]  }
0x89: {  	s3 =	sld [smem:$0x3FFE];
	_ =	sdelay $0x1  }
0x8a: {  	s1 =	srdreg.scid  }
0x8b: {  	s0 =	sand.u32 $0x1, s1  }
0x8c: {  	s17 =	sshll.u32 s0, $0xA;
	s2 =	sadd.s32 s3, s2  }
0x8d: {  	s2 =	sadd.s32 s2, s17  }
0x8e: {  	[smem:$0x3FC4] =	sst s2  }
0x8f: {  	_ = 	snop  }
0x90: {  	s2 =	sld [smem:$0x3FC9]  }
0x91: {  	s18 =	sld [smem:$0x3FD0];
	(tm) =	ssettm $0x1  }
0x92: {  	s4 =	sld [smem:$0x3FFB];
	_ =	sdelay $0x3  }
0x93: {  	_ =	strace s4  }
0x94: {  	s4 =	sld [smem:$0x3FFC];
	_ =	sdelay $0x3  }
0x95: {  	_ =	strace s4  }
0x96: {  	s4 =	sld [smem:$0x3FFD];
	_ =	sdelay $0x3  }
0x97: {  	_ =	strace s4  }
0x98: {  	_ =	strace $0x8FFFFFFF  }
0x99: {  	s19 =	sld [smem:$0x3FDB];
	_ =	sdelay $0x1  }
0x9a: {  	s5 =	simm.s32 $_scs_section_size  }
0x9b: {  	s6 =	simm.s32 $_size__tile_overlayer_lowered;
	s7 =	simm.s32 $_tile_overlayer_lowered  }
0x9c: {  	s22 =	simm.s32 $0x1BFF;
	s21 =	sshll.u32 s7, $0x1;
	s4 =	sadd.s32 s5, s19  }
0x9d: {  	s8 =	simm.s32 $0x0;
	s20 =	sshll.u32 s6, $0x1;
	s6 =	sadd.s32 s21, s4  }
0x9e: {  	[timem:s8], [sflag:s22] =	dma.local [hbm:s6], s20  }
0x9f: {  	_ =	swait.ge [sflag:s22], s20  }
0xa0: {  	s5 =	ssub.s32 $0x0, s20;
	[sflag:s22] =	ssyncset.done $0x0  }
0xa1: {  	[sflag:s22] =	ssyncadd.s32 s5;
	_ =	sdelay $0x1  }
0xa2: {  	s23 =	simm.s32 $0x1B8B  }
0xa3: {  	_ =	swait.ge [sflag:s23], $0x1  }
0xa4: {  	[sflag:s23] =	ssyncset.done $0x0  }
0xa5: {  	s25 =	simm.s32 $0x1B8E;
	s24 =	sld [smem:$0x3FFE];
	[sflag:s23] =	ssyncadd.s32 $0xFFFFFFFF  }
0xa6: {  	s26 =	simm.s32 $execute0_lowered;
	[smem:$0x3FD2] =	sst s25  }
0xa7: {  	s6 =	sshll.u32 s26, $0x1;
	_ =	strace $0x80000046;
	[dreg:$0x1] =	wrdreg $0xFFFFFFFF  }
0xa8: {  	s28 =	simm.s32 $_size_execute0_lowered;
	s4 =	sadd.s32 s4, s6;
	[dreg:$0x0] =	wrdreg $0x0  }
0xa9: {  	s6 =	sshll.u32 s28, $0x1;
	[dreg:$0x2] =	wrdreg s4  }
0xaa: {  	[dreg:$0x3] =	wrdreg s6  }
0xab: {  	[dreg:$0x4] =	wrdreg $0xC0  }
0xac: {  	_ =	task [dreg:s8], $0x5FFFF  }
0xad: {  	[dreg:$0x1] =	wrdreg $0xFFFFFFFF  }
0xae: {  	[dreg:$0x0] =	wrdreg $0x60  }
0xaf: {  	[dreg:$0x2] =	wrdreg s2  }
0xb0: {  	[dreg:$0x3] =	wrdreg s18  }
0xb1: {  	[dreg:$0x4] =	wrdreg s24  }
0xb2: {  	[dreg:$0x5] =	wrdreg $0xA8000  }
0xb3: {  	[dreg:$0x6] =	wrdreg $0x9  }
0xb4: {  	_ =	task.clear_ibuf [dreg:s8], $0x7FFFF;
	_ =	strace $0x90000046  }
0xb5: {  	s29 =	simm.s32 $0x9;
	_ =	strace $0x80000048  }
0xb6: {  	_ =	swait.ge [sflag:s29], $0x1  }
0xb7: {  	[sflag:s29] =	ssyncadd.s32 $0xFFFFFFFF  }
0xb8: {  	_ =	strace $0x90000048  }
0xb9: {  	_ =	sfence  }
0xba: {  	s30 =	sld [smem:$0x0];
	_ =	sdelay $0x2  }
0xbb: {  	s31 =	sshll.u32 s1, $0xD;
	s1 =	sshrl.u32 s1, $0x2  }
0xbc: {  	s3 =	sand.u32 $0x4000, s31;
	s1 =	sadd.s32 s1, s30  }
0xbd: {  	s0 =	sor.u32 s3, s0;
	s1 =	sshll.u32 s1, $0x11  }
0xbe: {  	s0 =	sor.u32 s1, s0  }
0xbf: {  	s0 =	sadd.s32 $0x8F2B, s0  }
0xc0: {  	[sflag:s0] =	ssyncadd.remote.s32 $0x1  }
0xc1: {  	_ =	sfence.sel $0xFFFF  }
0xc2: {  	[dreg:$0x0] =	wrdreg $0xFFFFFFFF;
	(pc) =	sbr.abs _section_cstart, $3  }
0xc3: {  	[dreg:$0x1] =	wrdreg $0xFFFFFFFF  }
0xc4: {  	_ =	task.clear_ibuf [dreg:s8], $0x2FFFF;
	_ =	strace $0x9FFFFFFF  }
0xc5: {  	(tm) =	ssettm $0x7FFFFFFF  }
tec
execute0_lowered:
.L_overlay_start_1:
0x0: {  	(tag) =	ssettag $0x1  }
0x1: {  	s0 =	rddreg [dreg:$0x0]  }
0x2: {  	s10 =	rddreg [dreg:$0x1]  }
0x3: {  	s6 =	rddreg [dreg:$0x2];
	s1 =	srdreg.scid  }
0x4: {  	s3 =	rddreg [dreg:$0x3];
	s2 =	stileid.u32;
	s4 =	simm.s32 $0x0  }
0x5: {  	s16 =	simm.s32 $0x1400;
	s17 =	simm.s32 $0x7D;
	s18 =	simm.s32 $0x2800  }
0x6: {  	s19 =	simm.s32 $0x3;
	s20 =	simm.s32 $0x1;
	s21 =	simm.s32 $0x80  }
0x7: {  	s22 =	simm.s32 $0x6800;
	s23 =	simm.s32 $0x2;
	s24 =	simm.s32 $0x1480  }
0x8: {  	s7 =	sand.u32 $0x1, s1;
	s1 =	rddreg [dreg:$0x4];
	s8 =	smul.u32 $0x13C00, s2  }
0x9: {  	s28 =	simm.s32 $0x0;
	[smem:$0x7FF] =	sst s4;
	s25 =	smul.u32 $0x4F000, s2  }
0xa: {  	s11 =	sadd.s32 $0x200, s6;
	s9 =	sshll.u32 s2, $0x1;
	s5 =	smul.u32 $0x13C000, s7  }
0xb: {  	_ =	strace $0x80000047;
	s12 =	ssub.s32 $0x2, s7;
	s7 =	sor.u32 s7, s9  }
0xc: {  	s26 =	sshrl.u32 s12, $0x1;
	s29 =	smul.u32 $0x2800, s7;
	s30 =	sshrl.u32 s25, $0x2  }
0xd: {  	s25 =	simm.s32 $0x100;
	s8 =	sadd.s32 s8, s5;
	s5 =	sadd.s32 $0xA200, s6  }
0xe: {  	s14 =	ssub.s32 s12, s26;
	s15 =	sadd.s32 s30, s3;
	s26 =	simm.s32 $0x4  }
.Ltmp0:
0xf: {  	s8 =	sshrl.u32 s8, $0x3;
	s31 =	sshrl.u32 s29, $0x3;
	(pc) =	sbr.rel .LBB2_1-.Ltmp0, $4  }
0x10: {  	s13 =	sadd.s32 s8, s6;
	s6 =	sshll.u32 s2, $0x6;
	s8 =	sadd.s32 s10, s31  }
0x11: {  	s9 =	sadd.s32 s11, s31;
	s12 =	sadd.s32 $0x280, s31;
	s7 =	sor.u32 $0x1C03, s6  }
0x12: {  	s10 =	sadd.s32 s10, s12;
	s11 =	sadd.s32 s11, s12;
	s12 =	sadd.s32 $0xCA00, s13  }
0x13: {  	s13 =	smax.u32 s14, $0x1;
	s14 =	sshrl.u32 s15, $0x3;
	s15 =	simm.s32 $0x5  }
.LBB2_7:
0x14: {  	_ =	swait.ge [sflag:s26], $0x3E80  }
0x15: {  	s28 =	sadd.s32 $0x1, s28;
	[sflag:s26] =	ssyncset.done $0x0  }
0x16: {  	p0 =	sne.s32 s28, s13;
	[sflag:s26] =	ssyncadd.s32 $0xFFFFC180  }
.Ltmp1:
0x17: {  	s29 =	sor.u32 $0x1C05, s6;
	[bflag:$0x0] =	sbarrier.arrive $0xFFFF;
	(pc) =	sbr.rel @!p0 .LBB2_8-.Ltmp1, $4  }
0x18: {  	[hbm:s12], [sflag:s29] =	dma.local [spmem:s14], $0x2780  }
0x19: {  	_ =	swait.ge [sflag:s15], $0x2780  }
0x1a: {  	[sflag:s15] =	ssyncset.done $0x0  }
0x1b: {  	[sflag:s15] =	ssyncadd.s32 $0xFFFFD880  }
.LBB2_1:
0x1c: {  	[spmem:s14], [sflag:s7] =	dma.local [hbm:s5], $0x2780  }
0x1d: {  	[tilespmem:s4], [sflag:$0x5] =	stream.linear.gather [hbm4b:s8+s4], $0x1400, $0x38;
	[tilespmem:$0x1E400] =	vst v63  }
0x1e: {  	_ =	swait.ge [sflag:s15], $0x1400  }
0x1f: {  	[sflag:s15] =	ssyncset.done $0x0  }
0x20: {  	[sflag:s15] =	ssyncadd.s32 $0xFFFFEC00  }
0x21: {  	[tilespmem:s16], [sflag:$0x5] =	stream.linear.gather [hbm4b:s9+s4], $0x1400, $0x38;
	[tilespmem:$0x1E400] =	vst v63  }
0x22: {  	_ =	swait.ge [sflag:s15], $0x1400  }
0x23: {  	[sflag:s15] =	ssyncset.done $0x0  }
0x24: {  	[sflag:s15] =	ssyncadd.s32 $0xFFFFEC00  }
0x25: {  	[tilespmem:s18], [sflag:$0x1] =	stream.indirect.gather [hbm4b:s0+s17], $0x80, s4, s17, $0xb8;
	[tilespmem:$0x1E400] =	vst v63  }
0x26: {  	_ =	swait.ge [sflag:s19], $0x2780  }
0x27: {  	[sflag:s19] =	ssyncset.done $0x0  }
0x28: {  	[sflag:s19] =	ssyncadd.s32 $0xFFFFD880  }
0x29: {  	[bflag:$0x0] =	sbarrier.arrive $0xFFFF  }
0x2a: {  	_ =	swait.ge [sflag:s20], $0x3E80  }
0x2b: {  	[sflag:s20] =	ssyncset.done $0x0  }
0x2c: {  	[sflag:s20] =	ssyncadd.s32 $0xFFFFC180  }
0x2d: {  	[spmem:s3] =	stream.indirect.scatter.add.f32 [tilespmem:s18], [sflag:$0x3], $0x80, s16, s17, $0xb8;
	[tilespmem:$0x1E400] =	vst v63  }
0x2e: {  	_ = 	snop  }
0x2f: {  	[tilespmem:s22], [sflag:$0x2] =	stream.indirect.gather [hbm4b:s0+s17], $0x80, s21, s17, $0xb8;
	[tilespmem:$0x1E400] =	vst v63  }
0x30: {  	_ =	swait.ge [sflag:s23], $0x3E80  }
0x31: {  	[sflag:s23] =	ssyncset.done $0x0  }
0x32: {  	[sflag:s23] =	ssyncadd.s32 $0xFFFFC180  }
0x33: {  	[spmem:s3] =	stream.indirect.scatter.add.f32 [tilespmem:s22], [sflag:$0x4], $0x80, s24, s17, $0xb8;
	[tilespmem:$0x1E400] =	vst v63  }
0x34: {  	_ =	swait.ge [sflag:s19], $0x3E80  }
0x35: {  	[sflag:s19] =	ssyncset.done $0x0  }
0x36: {  	s29 =	simm.s32 $0xFFFFB800;
	[sflag:s19] =	ssyncadd.s32 $0xFFFFC180  }
0x37: {  	[tilespmem:s18], [sflag:$0x1] =	stream.indirect.gather [hbm4b:s0+s17], $0x80, s25, s17, $0xb8;
	[tilespmem:$0x1E400] =	vst v63  }
.LBB2_2:
0x38: {  	_ =	swait.ge [sflag:s20], $0x3E80  }
0x39: {  	s30 =	sshra.s32 s29, $0x2;
	[sflag:s20] =	ssyncset.done $0x0  }
0x3a: {  	s31 =	sadd.s32 $0x2700, s30;
	[sflag:s20] =	ssyncadd.s32 $0xFFFFC180  }
0x3b: {  	[spmem:s3] =	stream.indirect.scatter.add.f32 [tilespmem:s18], [sflag:$0x3], $0x80, s31, s17, $0xb8;
	[tilespmem:$0x1E400] =	vst v63  }
0x3c: {  	_ =	swait.ge [sflag:s26], $0x3E80  }
0x3d: {  	[sflag:s26] =	ssyncset.done $0x0  }
0x3e: {  	s31 =	sadd.s32 $0x1380, s30;
	[sflag:s26] =	ssyncadd.s32 $0xFFFFC180  }
0x3f: {  	[tilespmem:s22], [sflag:$0x2] =	stream.indirect.gather [hbm4b:s0+s17], $0x80, s31, s17, $0xb8;
	[tilespmem:$0x1E400] =	vst v63  }
0x40: {  	_ =	swait.ge [sflag:s23], $0x3E80  }
0x41: {  	p0 =	seq.s32 s29, $0x0;
	[sflag:s23] =	ssyncset.done $0x0  }
.Ltmp2:
0x42: {  	s31 =	sadd.s32 $0x2780, s30;
	[sflag:s23] =	ssyncadd.s32 $0xFFFFC180;
	(pc) =	sbr.rel @p0 .LBB2_4-.Ltmp2, $4  }
0x43: {  	[spmem:s3] =	stream.indirect.scatter.add.f32 [tilespmem:s22], [sflag:$0x4], $0x80, s31, s17, $0xb8;
	[tilespmem:$0x1E400] =	vst v63  }
0x44: {  	_ =	swait.ge [sflag:s19], $0x3E80  }
0x45: {  	[sflag:s19] =	ssyncset.done $0x0  }
0x46: {  	[sflag:s19] =	ssyncadd.s32 $0xFFFFC180  }
.Ltmp3:
0x47: {  	(pc) =	sbr.rel .LBB2_2-.Ltmp3, $3  }
0x48: {  	_ =	sdelay $0x1  }
0x49: {  	s30 =	sadd.s32 $0x1400, s30;
	s29 =	sadd.s32 $0x400, s29  }
0x4a: {  	[tilespmem:s18], [sflag:$0x1] =	stream.indirect.gather [hbm4b:s0+s17], $0x80, s30, s17, $0xb8;
	[tilespmem:$0x1E400] =	vst v63  }
.LBB2_4:
0x4b: {  	_ =	swait.ge [sflag:s26], $0x3E80  }
0x4c: {  	[sflag:s26] =	ssyncset.done $0x0  }
0x4d: {  	[sflag:s26] =	ssyncadd.s32 $0xFFFFC180  }
0x4e: {  	[tilespmem:s4], [sflag:$0x5] =	stream.linear.gather [hbm4b:s10+s4], $0x1400, $0x38;
	[tilespmem:$0x1E400] =	vst v63  }
0x4f: {  	_ =	swait.ge [sflag:s15], $0x1400  }
0x50: {  	[sflag:s15] =	ssyncset.done $0x0  }
0x51: {  	[sflag:s15] =	ssyncadd.s32 $0xFFFFEC00  }
0x52: {  	[tilespmem:s16], [sflag:$0x5] =	stream.linear.gather [hbm4b:s11+s4], $0x1400, $0x38;
	[tilespmem:$0x1E400] =	vst v63  }
0x53: {  	_ =	swait.ge [sflag:s15], $0x1400  }
0x54: {  	[sflag:s15] =	ssyncset.done $0x0  }
0x55: {  	[sflag:s15] =	ssyncadd.s32 $0xFFFFEC00  }
0x56: {  	[tilespmem:s18], [sflag:$0x1] =	stream.indirect.gather [hbm4b:s0+s17], $0x80, s4, s17, $0xb8;
	[tilespmem:$0x1E400] =	vst v63  }
0x57: {  	_ =	swait.ge [sflag:s20], $0x3E80  }
0x58: {  	[sflag:s20] =	ssyncset.done $0x0  }
0x59: {  	[sflag:s20] =	ssyncadd.s32 $0xFFFFC180  }
0x5a: {  	[spmem:s3] =	stream.indirect.scatter.add.f32 [tilespmem:s18], [sflag:$0x3], $0x80, s16, s17, $0xb8;
	[tilespmem:$0x1E400] =	vst v63  }
0x5b: {  	_ = 	snop  }
0x5c: {  	[tilespmem:s22], [sflag:$0x2] =	stream.indirect.gather [hbm4b:s0+s17], $0x80, s21, s17, $0xb8;
	[tilespmem:$0x1E400] =	vst v63  }
0x5d: {  	_ =	swait.ge [sflag:s23], $0x3E80  }
0x5e: {  	[sflag:s23] =	ssyncset.done $0x0  }
0x5f: {  	[sflag:s23] =	ssyncadd.s32 $0xFFFFC180  }
0x60: {  	[spmem:s3] =	stream.indirect.scatter.add.f32 [tilespmem:s22], [sflag:$0x4], $0x80, s24, s17, $0xb8;
	[tilespmem:$0x1E400] =	vst v63  }
0x61: {  	_ =	swait.ge [sflag:s19], $0x3E80  }
0x62: {  	[sflag:s19] =	ssyncset.done $0x0  }
0x63: {  	s29 =	simm.s32 $0xFFFFB800;
	[sflag:s19] =	ssyncadd.s32 $0xFFFFC180  }
0x64: {  	[tilespmem:s18], [sflag:$0x1] =	stream.indirect.gather [hbm4b:s0+s17], $0x80, s25, s17, $0xb8;
	[tilespmem:$0x1E400] =	vst v63  }
.LBB2_5:
0x65: {  	_ =	swait.ge [sflag:s20], $0x3E80  }
0x66: {  	s30 =	sshra.s32 s29, $0x2;
	[sflag:s20] =	ssyncset.done $0x0  }
0x67: {  	s31 =	sadd.s32 $0x2700, s30;
	[sflag:s20] =	ssyncadd.s32 $0xFFFFC180  }
0x68: {  	[spmem:s3] =	stream.indirect.scatter.add.f32 [tilespmem:s18], [sflag:$0x3], $0x80, s31, s17, $0xb8;
	[tilespmem:$0x1E400] =	vst v63  }
0x69: {  	_ =	swait.ge [sflag:s26], $0x3E80  }
0x6a: {  	[sflag:s26] =	ssyncset.done $0x0  }
0x6b: {  	s31 =	sadd.s32 $0x1380, s30;
	[sflag:s26] =	ssyncadd.s32 $0xFFFFC180  }
0x6c: {  	[tilespmem:s22], [sflag:$0x2] =	stream.indirect.gather [hbm4b:s0+s17], $0x80, s31, s17, $0xb8;
	[tilespmem:$0x1E400] =	vst v63  }
0x6d: {  	_ =	swait.ge [sflag:s23], $0x3E80  }
0x6e: {  	p0 =	seq.s32 s29, $0x0;
	[sflag:s23] =	ssyncset.done $0x0  }
.Ltmp4:
0x6f: {  	s31 =	sadd.s32 $0x2780, s30;
	[sflag:s23] =	ssyncadd.s32 $0xFFFFC180;
	(pc) =	sbr.rel @p0 .LBB2_7-.Ltmp4, $4  }
0x70: {  	[spmem:s3] =	stream.indirect.scatter.add.f32 [tilespmem:s22], [sflag:$0x4], $0x80, s31, s17, $0xb8;
	[tilespmem:$0x1E400] =	vst v63  }
0x71: {  	_ =	swait.ge [sflag:s19], $0x3E80  }
0x72: {  	[sflag:s19] =	ssyncset.done $0x0  }
0x73: {  	[sflag:s19] =	ssyncadd.s32 $0xFFFFC180  }
.Ltmp5:
0x74: {  	(pc) =	sbr.rel .LBB2_5-.Ltmp5, $3  }
0x75: {  	_ =	sdelay $0x1  }
0x76: {  	s30 =	sadd.s32 $0x1400, s30;
	s29 =	sadd.s32 $0x400, s29  }
0x77: {  	[tilespmem:s18], [sflag:$0x1] =	stream.indirect.gather [hbm4b:s0+s17], $0x80, s30, s17, $0xb8;
	[tilespmem:$0x1E400] =	vst v63  }
.LBB2_8:
0x78: {  	_ =	sfence.sel $0x180000  }
0x79: {  	[bflag:$0x0] =	sbarrier.arrive $0xFFFF  }
0x7a: {  	p0 =	sne.s32 s2, $0x0;
	_ =	strace $0x90000047  }
0x7b: {  	s0 =	sadd.s32 @!p0 $0x100000, s1;
	[bflag:$0x2] =	sbarrier.arrive $0xFFFF  }
0x7c: {  	[sflag:s0] =	ssyncadd.tile.s32 @!p0 $0x1;
	_ =	shalt  }
.Lfunc_end2:
_tile_overlayer_lowered:
.L_overlay_start_2:
0x7d: {  	(tag) =	ssettag $0x2  }
0x7e: {  	s0 =	rddreg [dreg:$0x0];
	s2 =	stileid.u32  }
0x7f: {  	s1 =	rddreg [dreg:$0x1];
	p0 =	sne.s32 s2, $0x0  }
0x80: {  	s3 =	rddreg [dreg:$0x2];
	[bflag:$0x3] =	sbarrier.arrive $0xFFFF;
	s2 =	simm.s32 @!p0 $0x1C05  }
0x81: {  	[timem:s3], [sflag:s2] =	dma.local @!p0 [hbm:s0], s1  }
0x82: {  	s0 =	simm.s32 @!p0 $0x5  }
0x83: {  	_ =	swait.ge @!p0 [sflag:s0], s1  }
0x84: {  	s1 =	ssub.s32 @!p0 $0x0, s1;
	[sflag:s0] =	ssyncset.done @!p0 $0x0  }
0x85: {  	[sflag:s0] =	ssyncadd.s32 @!p0 s1  }
0x86: {  	[bflag:$0x3] =	sbarrier.arrive $0xFFFF  }
0x87: {  	_ =	shalt  }

</sc_bundles>
